<compile_context>
chip_gen: v7x
topology: tpu7x:2x2x1
jax: 0.10.2.dev20260603
libtpu: 0.0.44.dev20260713+nightly
codegen_flags: <defaults>
</compile_context>

<pallas_src>
import functools

import jax
import jax.numpy as jnp
from jax import lax
from jax.experimental import pallas as pl
from jax.experimental.pallas import tpu as pltpu
from jax.experimental.pallas import tpu_sc as plsc

_NUM_CORES = 2
_NUM_SUBCORES = 16
_NUM_WORKERS = _NUM_CORES * _NUM_SUBCORES
_NBUF = 4


@functools.partial(jax.jit, static_argnums=(2, 3, 4))
def _embedding_lookup(x_flat, table, b_per_w, chunk, n_chunks):
    D = table.shape[1]
    B = x_flat.shape[0]
    mesh = plsc.VectorSubcoreMesh(
        core_axis_name="c",
        subcore_axis_name="s",
        num_cores=_NUM_CORES,
        num_subcores=_NUM_SUBCORES,
    )

    @functools.partial(
        pl.kernel,
        out_type=jax.ShapeDtypeStruct((B, D), jnp.float32),
        mesh=mesh,
        scratch_types=[
            pltpu.VMEM((b_per_w,), jnp.int32),
            [pltpu.VMEM((chunk, D), jnp.float32) for _ in range(_NBUF)],
            [pltpu.SemaphoreType.DMA for _ in range(_NBUF)],
            [pltpu.SemaphoreType.DMA for _ in range(_NBUF)],
        ],
    )
    def emb(idx_hbm, table_hbm, out_hbm, idx_v, rows, gsems, osems):
        wid = lax.axis_index("s") * _NUM_CORES + lax.axis_index("c")
        base = wid * b_per_w
        pltpu.sync_copy(idx_hbm.at[pl.ds(base, b_per_w)], idx_v)

        def gather_start(g, slot):
            pltpu.async_copy(
                table_hbm.at[idx_v.at[pl.ds(g * chunk, chunk)]],
                rows[slot],
                gsems[slot],
            )

        def gather_wait(g, slot):
            pltpu.make_async_copy(
                table_hbm.at[idx_v.at[pl.ds(g * chunk, chunk)]],
                rows[slot],
                gsems[slot],
            ).wait()

        def out_start(g, slot):
            pltpu.async_copy(
                rows[slot],
                out_hbm.at[pl.ds(base + g * chunk, chunk)],
                osems[slot],
            )

        def out_wait(slot):
            pltpu.make_async_copy(
                rows[slot],
                out_hbm.at[pl.ds(base, chunk)],
                osems[slot],
            ).wait()

        for b in range(_NBUF - 1):
            gather_start(b, b)

        @pl.loop(0, n_chunks, step=_NBUF)
        def body(g):
            for s in range(_NBUF):
                gi = g + s
                pre = gi + _NBUF - 1
                slot_pre = (s + _NBUF - 1) % _NBUF
                if s == 0:

                    @pl.when(pre < n_chunks)
                    def _():
                        @pl.when(g >= 1)
                        def _():
                            out_wait(slot_pre)

                        gather_start(pre, slot_pre)

                else:

                    @pl.when(pre < n_chunks)
                    def _():
                        out_wait(slot_pre)
                        gather_start(pre, slot_pre)

                gather_wait(gi, s)
                out_start(gi, s)

        for b in range(_NBUF):
            out_wait(b)

    return emb(x_flat, table)


def kernel(x, W):
    B0, S = x.shape
    V, D = W.shape
    B = B0 * S
    b_per_w = B // _NUM_WORKERS
    chunk = 200
    n_chunks = b_per_w // chunk
    x_flat = x.reshape(B).astype(jnp.int32)
    out = _embedding_lookup(x_flat, W, b_per_w, chunk, n_chunks)
    return out.reshape(B0, S, D)

# --- scband reference (transcript-rebuilt; emitter-appended) ---
"""Pipeline reference for scband-word-embedding-layer-41497974014235 (READ-ONLY COPY).

The authoritative reference and input builder live on the scoring server;
editing this copy changes nothing except your own understanding.
"""

import jax, jax.numpy as jnp
import numpy as np

VOCAB = 100000
EMBED_DIM = 128

def setup_inputs(seed: int = 0) -> dict:
    key = jax.random.key(seed)
    k1, k2 = jax.random.split(key)
    x = jax.random.randint(k1, (4096, 200), 0, VOCAB, dtype=jnp.int64) if jax.config.jax_enable_x64 else jax.random.randint(k1, (4096, 200), 0, VOCAB, dtype=jnp.int32)
    W = jax.random.normal(k2, (VOCAB, EMBED_DIM), dtype=jnp.float32)
    return {"x": x, "W": W}

def reference(x, W):
    # nn.Embedding lookup: embedding = self.embed(x)
    embedding = jnp.take(W, x, axis=0)
    return embedding

if __name__ == "__main__":
    import jax
    _d = setup_inputs()
    print(jax.jit(kernel)(*tuple(_d.values())))

</pallas_src>

<mosaic_0001>
#map = affine_map<(d0, d1) -> (0)>
#map1 = affine_map<(d0, d1) -> (0, 0)>
module attributes {stable_mosaic.version = 14 : i64} {
  func.func @emb(%arg0: i32, %arg1: i32, %arg2: memref<819200xi32, #tpu.memory_space<hbm>>, %arg3: memref<100000x128xf32, #tpu.memory_space<hbm>>, %arg4: memref<819200x128xf32, #tpu.memory_space<hbm>>, %arg5: memref<25600xi32, #tpu.memory_space<vmem>>, %arg6: memref<200x128xf32, #tpu.memory_space<vmem>>, %arg7: memref<200x128xf32, #tpu.memory_space<vmem>>, %arg8: memref<200x128xf32, #tpu.memory_space<vmem>>, %arg9: memref<200x128xf32, #tpu.memory_space<vmem>>, %arg10: memref<!tpu.dma_semaphore, #tpu.memory_space<semaphore_mem>>, %arg11: memref<!tpu.dma_semaphore, #tpu.memory_space<semaphore_mem>>, %arg12: memref<!tpu.dma_semaphore, #tpu.memory_space<semaphore_mem>>, %arg13: memref<!tpu.dma_semaphore, #tpu.memory_space<semaphore_mem>>, %arg14: memref<!tpu.dma_semaphore, #tpu.memory_space<semaphore_mem>>, %arg15: memref<!tpu.dma_semaphore, #tpu.memory_space<semaphore_mem>>, %arg16: memref<!tpu.dma_semaphore, #tpu.memory_space<semaphore_mem>>, %arg17: memref<!tpu.dma_semaphore, #tpu.memory_space<semaphore_mem>>) attributes {dimension_semantics = [#tpu.dimension_semantics<core_parallel>, #tpu.dimension_semantics<subcore_parallel>], iteration_bounds = array<i64: 2, 16>, scalar_prefetch = 0 : i64, scratch_operands = 13 : i64, tpu.core_type = #tpu.core_type<sc_vector_subcore>, window_params = [{transform_indices = #map}, {transform_indices = #map1}, {transform_indices = #map1}]} {
    %mul3A = arith.constant 2 : i32
    %mul3A_0 = arith.muli %arg1, %mul3A : i32
    %add3A = arith.addi %mul3A_0, %arg0 : i32
    %mul3A_1 = arith.constant 25600 : i32
    %mul3A_2 = arith.muli %add3A, %mul3A_1 : i32
    "tpu.region"() ({
      %run_scoped3A = tpu.sem_alloc : memref<!tpu.dma_semaphore, #tpu.memory_space<semaphore_mem>>
      %dma_start3A_36 = tpu.memref_slice %arg2[%mul3A_2] : memref<819200xi32, #tpu.memory_space<hbm>> -> memref<25600xi32, #tpu.memory_space<hbm>>
      %dma_start3A_37 = tpu.memref_slice %arg2[%mul3A_2] : memref<819200xi32, #tpu.memory_space<hbm>> -> memref<25600xi32, #tpu.memory_space<hbm>>
      tpu.enqueue_dma source(%dma_start3A_37 : memref<25600xi32, #tpu.memory_space<hbm>>) target(%arg5 : memref<25600xi32, #tpu.memory_space<vmem>>) target_semaphore(%run_scoped3A : memref<!tpu.dma_semaphore, #tpu.memory_space<semaphore_mem>>)
      %dma_wait3A_38 = tpu.memref_slice %arg2[%mul3A_2] : memref<819200xi32, #tpu.memory_space<hbm>> -> memref<25600xi32, #tpu.memory_space<hbm>>
      %dma_wait3A_39 = tpu.memref_slice %arg2[%mul3A_2] : memref<819200xi32, #tpu.memory_space<hbm>> -> memref<25600xi32, #tpu.memory_space<hbm>>
      tpu.wait_dma2 semaphore(%run_scoped3A : memref<!tpu.dma_semaphore, #tpu.memory_space<semaphore_mem>>) src(%dma_wait3A_39 : memref<25600xi32, #tpu.memory_space<hbm>>) dst(%arg5 : memref<25600xi32, #tpu.memory_space<vmem>>)
      tpu.yield
    }) : () -> ()
    %dma_start3A = arith.constant 0 : i32
    %dma_start3A_3 = tpu.memref_slice %arg5[%dma_start3A] : memref<25600xi32, #tpu.memory_space<vmem>> -> memref<200xi32, #tpu.memory_space<vmem>>
    %dma_start3A_4 = arith.constant 0 : i32
    %dma_start3A_5 = arith.constant 0 : i32
    %dma_start3A_6 = tpu.memref_slice %arg3[%dma_start3A_4, %dma_start3A_5] : memref<100000x128xf32, #tpu.memory_space<hbm>> -> memref<100000x128xf32, #tpu.memory_space<hbm>>
    tpu.enqueue_indirect_dma source(%dma_start3A_6 : memref<100000x128xf32, #tpu.memory_space<hbm>>) target(%arg6 : memref<200x128xf32, #tpu.memory_space<vmem>>) offsets(%dma_start3A_3 : memref<200xi32, #tpu.memory_space<vmem>>) semaphore(%arg10 : memref<!tpu.dma_semaphore, #tpu.memory_space<semaphore_mem>>)
    %dma_start3A_7 = arith.constant 200 : i32
    %dma_start3A_8 = tpu.memref_slice %arg5[%dma_start3A_7] : memref<25600xi32, #tpu.memory_space<vmem>> -> memref<200xi32, #tpu.memory_space<vmem>>
    %dma_start3A_9 = arith.constant 0 : i32
    %dma_start3A_10 = arith.constant 0 : i32
    %dma_start3A_11 = tpu.memref_slice %arg3[%dma_start3A_9, %dma_start3A_10] : memref<100000x128xf32, #tpu.memory_space<hbm>> -> memref<100000x128xf32, #tpu.memory_space<hbm>>
    tpu.enqueue_indirect_dma source(%dma_start3A_11 : memref<100000x128xf32, #tpu.memory_space<hbm>>) target(%arg7 : memref<200x128xf32, #tpu.memory_space<vmem>>) offsets(%dma_start3A_8 : memref<200xi32, #tpu.memory_space<vmem>>) semaphore(%arg11 : memref<!tpu.dma_semaphore, #tpu.memory_space<semaphore_mem>>)
    %dma_start3A_12 = arith.constant 400 : i32
    %dma_start3A_13 = tpu.memref_slice %arg5[%dma_start3A_12] : memref<25600xi32, #tpu.memory_space<vmem>> -> memref<200xi32, #tpu.memory_space<vmem>>
    %dma_start3A_14 = arith.constant 0 : i32
    %dma_start3A_15 = arith.constant 0 : i32
    %dma_start3A_16 = tpu.memref_slice %arg3[%dma_start3A_14, %dma_start3A_15] : memref<100000x128xf32, #tpu.memory_space<hbm>> -> memref<100000x128xf32, #tpu.memory_space<hbm>>
    tpu.enqueue_indirect_dma source(%dma_start3A_16 : memref<100000x128xf32, #tpu.memory_space<hbm>>) target(%arg8 : memref<200x128xf32, #tpu.memory_space<vmem>>) offsets(%dma_start3A_13 : memref<200xi32, #tpu.memory_space<vmem>>) semaphore(%arg12 : memref<!tpu.dma_semaphore, #tpu.memory_space<semaphore_mem>>)
    %scan3A = arith.constant 0 : i32
    %scan3A_17 = arith.constant 32 : i32
    %scan3A_18 = arith.addi %scan3A, %scan3A_17 : i32
    %scan3A_19 = arith.constant 1 : i32
    scf.for %scan3A_36 = %scan3A to %scan3A_18 step %scan3A_19  : i32 {
      %mul3A_37 = arith.constant 4 : i32
      %mul3A_38 = arith.muli %scan3A_36, %mul3A_37 : i32
      %add3A_39 = arith.constant 0 : i32
      %add3A_40 = arith.addi %add3A_39, %mul3A_38 : i32
      %add3A_41 = arith.constant 0 : i32
      %add3A_42 = arith.addi %add3A_40, %add3A_41 : i32
      %add3A_43 = arith.constant 4 : i32
      %add3A_44 = arith.addi %add3A_42, %add3A_43 : i32
      %sub3A = arith.constant 1 : i32
      %sub3A_45 = arith.subi %add3A_44, %sub3A : i32
      %lt3A = arith.constant 128 : i32
      %lt3A_46 = arith.cmpi slt, %sub3A_45, %lt3A : i32
      %convert_element_type3A = arith.extui %lt3A_46 : i1 to i32
      %cond3A = arith.constant 0 : i32
      %cond3A_47 = arith.cmpi ne, %convert_element_type3A, %cond3A : i32
      scf.if %cond3A_47 {
        %ge3A = arith.constant 1 : i32
        %ge3A_133 = arith.cmpi sge, %add3A_40, %ge3A : i32
        %convert_element_type3A_134 = arith.extui %ge3A_133 : i1 to i32
        %cond3A_135 = arith.constant 0 : i32
        %cond3A_136 = arith.cmpi ne, %convert_element_type3A_134, %cond3A_135 : i32
        scf.if %cond3A_136 {
          %dma_wait3A_143 = arith.constant 0 : i32
          %dma_wait3A_144 = tpu.memref_slice %arg4[%mul3A_2, %dma_wait3A_143] : memref<819200x128xf32, #tpu.memory_space<hbm>> -> memref<200x128xf32, #tpu.memory_space<hbm>>
          %dma_wait3A_145 = arith.constant 0 : i32
          %dma_wait3A_146 = tpu.memref_slice %arg4[%mul3A_2, %dma_wait3A_145] : memref<819200x128xf32, #tpu.memory_space<hbm>> -> memref<200x128xf32, #tpu.memory_space<hbm>>
          tpu.wait_dma2 semaphore(%arg17 : memref<!tpu.dma_semaphore, #tpu.memory_space<semaphore_mem>>) src(%arg9 : memref<200x128xf32, #tpu.memory_space<vmem>>) dst(%dma_wait3A_146 : memref<200x128xf32, #tpu.memory_space<hbm>>)
        } else {
        }
        %mul3A_137 = arith.constant 200 : i32
        %mul3A_138 = arith.muli %sub3A_45, %mul3A_137 : i32
        %dma_start3A_139 = tpu.memref_slice %arg5[%mul3A_138] : memref<25600xi32, #tpu.memory_space<vmem>> -> memref<200xi32, #tpu.memory_space<vmem>>
        %dma_start3A_140 = arith.constant 0 : i32
        %dma_start3A_141 = arith.constant 0 : i32
        %dma_start3A_142 = tpu.memref_slice %arg3[%dma_start3A_140, %dma_start3A_141] : memref<100000x128xf32, #tpu.memory_space<hbm>> -> memref<100000x128xf32, #tpu.memory_space<hbm>>
        tpu.enqueue_indirect_dma source(%dma_start3A_142 : memref<100000x128xf32, #tpu.memory_space<hbm>>) target(%arg9 : memref<200x128xf32, #tpu.memory_space<vmem>>) offsets(%dma_start3A_139 : memref<200xi32, #tpu.memory_space<vmem>>) semaphore(%arg13 : memref<!tpu.dma_semaphore, #tpu.memory_space<semaphore_mem>>)
      } else {
      }
      %mul3A_48 = arith.constant 200 : i32
      %mul3A_49 = arith.muli %add3A_42, %mul3A_48 : i32
      %dma_wait3A_50 = tpu.memref_slice %arg5[%mul3A_49] : memref<25600xi32, #tpu.memory_space<vmem>> -> memref<200xi32, #tpu.memory_space<vmem>>
      %dma_wait3A_51 = arith.constant 0 : i32
      %dma_wait3A_52 = arith.constant 0 : i32
      %dma_wait3A_53 = tpu.memref_slice %arg3[%dma_wait3A_51, %dma_wait3A_52] : memref<100000x128xf32, #tpu.memory_space<hbm>> -> memref<100000x128xf32, #tpu.memory_space<hbm>>
      tpu.wait_indirect_dma semaphore(%arg10 : memref<!tpu.dma_semaphore, #tpu.memory_space<semaphore_mem>>) src(%dma_wait3A_53 : memref<100000x128xf32, #tpu.memory_space<hbm>>) dst(%arg6 : memref<200x128xf32, #tpu.memory_space<vmem>>)
      %mul3A_54 = arith.constant 200 : i32
      %mul3A_55 = arith.muli %add3A_42, %mul3A_54 : i32
      %add3A_56 = arith.addi %mul3A_2, %mul3A_55 : i32
      %dma_start3A_57 = arith.constant 0 : i32
      %dma_start3A_58 = tpu.memref_slice %arg4[%add3A_56, %dma_start3A_57] : memref<819200x128xf32, #tpu.memory_space<hbm>> -> memref<200x128xf32, #tpu.memory_space<hbm>>
      %dma_start3A_59 = arith.constant 0 : i32
      %dma_start3A_60 = tpu.memref_slice %arg4[%add3A_56, %dma_start3A_59] : memref<819200x128xf32, #tpu.memory_space<hbm>> -> memref<200x128xf32, #tpu.memory_space<hbm>>
      tpu.enqueue_dma source(%arg6 : memref<200x128xf32, #tpu.memory_space<vmem>>) target(%dma_start3A_60 : memref<200x128xf32, #tpu.memory_space<hbm>>) target_semaphore(%arg14 : memref<!tpu.dma_semaphore, #tpu.memory_space<semaphore_mem>>)
      %add3A_61 = arith.constant 1 : i32
      %add3A_62 = arith.addi %add3A_40, %add3A_61 : i32
      %add3A_63 = arith.constant 4 : i32
      %add3A_64 = arith.addi %add3A_62, %add3A_63 : i32
      %sub3A_65 = arith.constant 1 : i32
      %sub3A_66 = arith.subi %add3A_64, %sub3A_65 : i32
      %lt3A_67 = arith.constant 128 : i32
      %lt3A_68 = arith.cmpi slt, %sub3A_66, %lt3A_67 : i32
      %convert_element_type3A_69 = arith.extui %lt3A_68 : i1 to i32
      %cond3A_70 = arith.constant 0 : i32
      %cond3A_71 = arith.cmpi ne, %convert_element_type3A_69, %cond3A_70 : i32
      scf.if %cond3A_71 {
        %dma_wait3A_133 = arith.constant 0 : i32
        %dma_wait3A_134 = tpu.memref_slice %arg4[%mul3A_2, %dma_wait3A_133] : memref<819200x128xf32, #tpu.memory_space<hbm>> -> memref<200x128xf32, #tpu.memory_space<hbm>>
        %dma_wait3A_135 = arith.constant 0 : i32
        %dma_wait3A_136 = tpu.memref_slice %arg4[%mul3A_2, %dma_wait3A_135] : memref<819200x128xf32, #tpu.memory_space<hbm>> -> memref<200x128xf32, #tpu.memory_space<hbm>>
        tpu.wait_dma2 semaphore(%arg14 : memref<!tpu.dma_semaphore, #tpu.memory_space<semaphore_mem>>) src(%arg6 : memref<200x128xf32, #tpu.memory_space<vmem>>) dst(%dma_wait3A_136 : memref<200x128xf32, #tpu.memory_space<hbm>>)
        %mul3A_137 = arith.constant 200 : i32
        %mul3A_138 = arith.muli %sub3A_66, %mul3A_137 : i32
        %dma_start3A_139 = tpu.memref_slice %arg5[%mul3A_138] : memref<25600xi32, #tpu.memory_space<vmem>> -> memref<200xi32, #tpu.memory_space<vmem>>
        %dma_start3A_140 = arith.constant 0 : i32
        %dma_start3A_141 = arith.constant 0 : i32
        %dma_start3A_142 = tpu.memref_slice %arg3[%dma_start3A_140, %dma_start3A_141] : memref<100000x128xf32, #tpu.memory_space<hbm>> -> memref<100000x128xf32, #tpu.memory_space<hbm>>
        tpu.enqueue_indirect_dma source(%dma_start3A_142 : memref<100000x128xf32, #tpu.memory_space<hbm>>) target(%arg6 : memref<200x128xf32, #tpu.memory_space<vmem>>) offsets(%dma_start3A_139 : memref<200xi32, #tpu.memory_space<vmem>>) semaphore(%arg10 : memref<!tpu.dma_semaphore, #tpu.memory_space<semaphore_mem>>)
      } else {
      }
      %mul3A_72 = arith.constant 200 : i32
      %mul3A_73 = arith.muli %add3A_62, %mul3A_72 : i32
      %dma_wait3A_74 = tpu.memref_slice %arg5[%mul3A_73] : memref<25600xi32, #tpu.memory_space<vmem>> -> memref<200xi32, #tpu.memory_space<vmem>>
      %dma_wait3A_75 = arith.constant 0 : i32
      %dma_wait3A_76 = arith.constant 0 : i32
      %dma_wait3A_77 = tpu.memref_slice %arg3[%dma_wait3A_75, %dma_wait3A_76] : memref<100000x128xf32, #tpu.memory_space<hbm>> -> memref<100000x128xf32, #tpu.memory_space<hbm>>
      tpu.wait_indirect_dma semaphore(%arg11 : memref<!tpu.dma_semaphore, #tpu.memory_space<semaphore_mem>>) src(%dma_wait3A_77 : memref<100000x128xf32, #tpu.memory_space<hbm>>) dst(%arg7 : memref<200x128xf32, #tpu.memory_space<vmem>>)
      %mul3A_78 = arith.constant 200 : i32
      %mul3A_79 = arith.muli %add3A_62, %mul3A_78 : i32
      %add3A_80 = arith.addi %mul3A_2, %mul3A_79 : i32
      %dma_start3A_81 = arith.constant 0 : i32
      %dma_start3A_82 = tpu.memref_slice %arg4[%add3A_80, %dma_start3A_81] : memref<819200x128xf32, #tpu.memory_space<hbm>> -> memref<200x128xf32, #tpu.memory_space<hbm>>
      %dma_start3A_83 = arith.constant 0 : i32
      %dma_start3A_84 = tpu.memref_slice %arg4[%add3A_80, %dma_start3A_83] : memref<819200x128xf32, #tpu.memory_space<hbm>> -> memref<200x128xf32, #tpu.memory_space<hbm>>
      tpu.enqueue_dma source(%arg7 : memref<200x128xf32, #tpu.memory_space<vmem>>) target(%dma_start3A_84 : memref<200x128xf32, #tpu.memory_space<hbm>>) target_semaphore(%arg15 : memref<!tpu.dma_semaphore, #tpu.memory_space<semaphore_mem>>)
      %add3A_85 = arith.constant 2 : i32
      %add3A_86 = arith.addi %add3A_40, %add3A_85 : i32
      %add3A_87 = arith.constant 4 : i32
      %add3A_88 = arith.addi %add3A_86, %add3A_87 : i32
      %sub3A_89 = arith.constant 1 : i32
      %sub3A_90 = arith.subi %add3A_88, %sub3A_89 : i32
      %lt3A_91 = arith.constant 128 : i32
      %lt3A_92 = arith.cmpi slt, %sub3A_90, %lt3A_91 : i32
      %convert_element_type3A_93 = arith.extui %lt3A_92 : i1 to i32
      %cond3A_94 = arith.constant 0 : i32
      %cond3A_95 = arith.cmpi ne, %convert_element_type3A_93, %cond3A_94 : i32
      scf.if %cond3A_95 {
        %dma_wait3A_133 = arith.constant 0 : i32
        %dma_wait3A_134 = tpu.memref_slice %arg4[%mul3A_2, %dma_wait3A_133] : memref<819200x128xf32, #tpu.memory_space<hbm>> -> memref<200x128xf32, #tpu.memory_space<hbm>>
        %dma_wait3A_135 = arith.constant 0 : i32
        %dma_wait3A_136 = tpu.memref_slice %arg4[%mul3A_2, %dma_wait3A_135] : memref<819200x128xf32, #tpu.memory_space<hbm>> -> memref<200x128xf32, #tpu.memory_space<hbm>>
        tpu.wait_dma2 semaphore(%arg15 : memref<!tpu.dma_semaphore, #tpu.memory_space<semaphore_mem>>) src(%arg7 : memref<200x128xf32, #tpu.memory_space<vmem>>) dst(%dma_wait3A_136 : memref<200x128xf32, #tpu.memory_space<hbm>>)
        %mul3A_137 = arith.constant 200 : i32
        %mul3A_138 = arith.muli %sub3A_90, %mul3A_137 : i32
        %dma_start3A_139 = tpu.memref_slice %arg5[%mul3A_138] : memref<25600xi32, #tpu.memory_space<vmem>> -> memref<200xi32, #tpu.memory_space<vmem>>
        %dma_start3A_140 = arith.constant 0 : i32
        %dma_start3A_141 = arith.constant 0 : i32
        %dma_start3A_142 = tpu.memref_slice %arg3[%dma_start3A_140, %dma_start3A_141] : memref<100000x128xf32, #tpu.memory_space<hbm>> -> memref<100000x128xf32, #tpu.memory_space<hbm>>
        tpu.enqueue_indirect_dma source(%dma_start3A_142 : memref<100000x128xf32, #tpu.memory_space<hbm>>) target(%arg7 : memref<200x128xf32, #tpu.memory_space<vmem>>) offsets(%dma_start3A_139 : memref<200xi32, #tpu.memory_space<vmem>>) semaphore(%arg11 : memref<!tpu.dma_semaphore, #tpu.memory_space<semaphore_mem>>)
      } else {
      }
      %mul3A_96 = arith.constant 200 : i32
      %mul3A_97 = arith.muli %add3A_86, %mul3A_96 : i32
      %dma_wait3A_98 = tpu.memref_slice %arg5[%mul3A_97] : memref<25600xi32, #tpu.memory_space<vmem>> -> memref<200xi32, #tpu.memory_space<vmem>>
      %dma_wait3A_99 = arith.constant 0 : i32
      %dma_wait3A_100 = arith.constant 0 : i32
      %dma_wait3A_101 = tpu.memref_slice %arg3[%dma_wait3A_99, %dma_wait3A_100] : memref<100000x128xf32, #tpu.memory_space<hbm>> -> memref<100000x128xf32, #tpu.memory_space<hbm>>
      tpu.wait_indirect_dma semaphore(%arg12 : memref<!tpu.dma_semaphore, #tpu.memory_space<semaphore_mem>>) src(%dma_wait3A_101 : memref<100000x128xf32, #tpu.memory_space<hbm>>) dst(%arg8 : memref<200x128xf32, #tpu.memory_space<vmem>>)
      %mul3A_102 = arith.constant 200 : i32
      %mul3A_103 = arith.muli %add3A_86, %mul3A_102 : i32
      %add3A_104 = arith.addi %mul3A_2, %mul3A_103 : i32
      %dma_start3A_105 = arith.constant 0 : i32
      %dma_start3A_106 = tpu.memref_slice %arg4[%add3A_104, %dma_start3A_105] : memref<819200x128xf32, #tpu.memory_space<hbm>> -> memref<200x128xf32, #tpu.memory_space<hbm>>
      %dma_start3A_107 = arith.constant 0 : i32
      %dma_start3A_108 = tpu.memref_slice %arg4[%add3A_104, %dma_start3A_107] : memref<819200x128xf32, #tpu.memory_space<hbm>> -> memref<200x128xf32, #tpu.memory_space<hbm>>
      tpu.enqueue_dma source(%arg8 : memref<200x128xf32, #tpu.memory_space<vmem>>) target(%dma_start3A_108 : memref<200x128xf32, #tpu.memory_space<hbm>>) target_semaphore(%arg16 : memref<!tpu.dma_semaphore, #tpu.memory_space<semaphore_mem>>)
      %add3A_109 = arith.constant 3 : i32
      %add3A_110 = arith.addi %add3A_40, %add3A_109 : i32
      %add3A_111 = arith.constant 4 : i32
      %add3A_112 = arith.addi %add3A_110, %add3A_111 : i32
      %sub3A_113 = arith.constant 1 : i32
      %sub3A_114 = arith.subi %add3A_112, %sub3A_113 : i32
      %lt3A_115 = arith.constant 128 : i32
      %lt3A_116 = arith.cmpi slt, %sub3A_114, %lt3A_115 : i32
      %convert_element_type3A_117 = arith.extui %lt3A_116 : i1 to i32
      %cond3A_118 = arith.constant 0 : i32
      %cond3A_119 = arith.cmpi ne, %convert_element_type3A_117, %cond3A_118 : i32
      scf.if %cond3A_119 {
        %dma_wait3A_133 = arith.constant 0 : i32
        %dma_wait3A_134 = tpu.memref_slice %arg4[%mul3A_2, %dma_wait3A_133] : memref<819200x128xf32, #tpu.memory_space<hbm>> -> memref<200x128xf32, #tpu.memory_space<hbm>>
        %dma_wait3A_135 = arith.constant 0 : i32
        %dma_wait3A_136 = tpu.memref_slice %arg4[%mul3A_2, %dma_wait3A_135] : memref<819200x128xf32, #tpu.memory_space<hbm>> -> memref<200x128xf32, #tpu.memory_space<hbm>>
        tpu.wait_dma2 semaphore(%arg16 : memref<!tpu.dma_semaphore, #tpu.memory_space<semaphore_mem>>) src(%arg8 : memref<200x128xf32, #tpu.memory_space<vmem>>) dst(%dma_wait3A_136 : memref<200x128xf32, #tpu.memory_space<hbm>>)
        %mul3A_137 = arith.constant 200 : i32
        %mul3A_138 = arith.muli %sub3A_114, %mul3A_137 : i32
        %dma_start3A_139 = tpu.memref_slice %arg5[%mul3A_138] : memref<25600xi32, #tpu.memory_space<vmem>> -> memref<200xi32, #tpu.memory_space<vmem>>
        %dma_start3A_140 = arith.constant 0 : i32
        %dma_start3A_141 = arith.constant 0 : i32
        %dma_start3A_142 = tpu.memref_slice %arg3[%dma_start3A_140, %dma_start3A_141] : memref<100000x128xf32, #tpu.memory_space<hbm>> -> memref<100000x128xf32, #tpu.memory_space<hbm>>
        tpu.enqueue_indirect_dma source(%dma_start3A_142 : memref<100000x128xf32, #tpu.memory_space<hbm>>) target(%arg8 : memref<200x128xf32, #tpu.memory_space<vmem>>) offsets(%dma_start3A_139 : memref<200xi32, #tpu.memory_space<vmem>>) semaphore(%arg12 : memref<!tpu.dma_semaphore, #tpu.memory_space<semaphore_mem>>)
      } else {
      }
      %mul3A_120 = arith.constant 200 : i32
      %mul3A_121 = arith.muli %add3A_110, %mul3A_120 : i32
      %dma_wait3A_122 = tpu.memref_slice %arg5[%mul3A_121] : memref<25600xi32, #tpu.memory_space<vmem>> -> memref<200xi32, #tpu.memory_space<vmem>>
      %dma_wait3A_123 = arith.constant 0 : i32
      %dma_wait3A_124 = arith.constant 0 : i32
      %dma_wait3A_125 = tpu.memref_slice %arg3[%dma_wait3A_123, %dma_wait3A_124] : memref<100000x128xf32, #tpu.memory_space<hbm>> -> memref<100000x128xf32, #tpu.memory_space<hbm>>
      tpu.wait_indirect_dma semaphore(%arg13 : memref<!tpu.dma_semaphore, #tpu.memory_space<semaphore_mem>>) src(%dma_wait3A_125 : memref<100000x128xf32, #tpu.memory_space<hbm>>) dst(%arg9 : memref<200x128xf32, #tpu.memory_space<vmem>>)
      %mul3A_126 = arith.constant 200 : i32
      %mul3A_127 = arith.muli %add3A_110, %mul3A_126 : i32
      %add3A_128 = arith.addi %mul3A_2, %mul3A_127 : i32
      %dma_start3A_129 = arith.constant 0 : i32
      %dma_start3A_130 = tpu.memref_slice %arg4[%add3A_128, %dma_start3A_129] : memref<819200x128xf32, #tpu.memory_space<hbm>> -> memref<200x128xf32, #tpu.memory_space<hbm>>
      %dma_start3A_131 = arith.constant 0 : i32
      %dma_start3A_132 = tpu.memref_slice %arg4[%add3A_128, %dma_start3A_131] : memref<819200x128xf32, #tpu.memory_space<hbm>> -> memref<200x128xf32, #tpu.memory_space<hbm>>
      tpu.enqueue_dma source(%arg9 : memref<200x128xf32, #tpu.memory_space<vmem>>) target(%dma_start3A_132 : memref<200x128xf32, #tpu.memory_space<hbm>>) target_semaphore(%arg17 : memref<!tpu.dma_semaphore, #tpu.memory_space<semaphore_mem>>)
    }
    %scan3A_20 = arith.constant 32 : i32
    %dma_wait3A = arith.constant 0 : i32
    %dma_wait3A_21 = tpu.memref_slice %arg4[%mul3A_2, %dma_wait3A] : memref<819200x128xf32, #tpu.memory_space<hbm>> -> memref<200x128xf32, #tpu.memory_space<hbm>>
    %dma_wait3A_22 = arith.constant 0 : i32
    %dma_wait3A_23 = tpu.memref_slice %arg4[%mul3A_2, %dma_wait3A_22] : memref<819200x128xf32, #tpu.memory_space<hbm>> -> memref<200x128xf32, #tpu.memory_space<hbm>>
    tpu.wait_dma2 semaphore(%arg14 : memref<!tpu.dma_semaphore, #tpu.memory_space<semaphore_mem>>) src(%arg6 : memref<200x128xf32, #tpu.memory_space<vmem>>) dst(%dma_wait3A_23 : memref<200x128xf32, #tpu.memory_space<hbm>>)
    %dma_wait3A_24 = arith.constant 0 : i32
    %dma_wait3A_25 = tpu.memref_slice %arg4[%mul3A_2, %dma_wait3A_24] : memref<819200x128xf32, #tpu.memory_space<hbm>> -> memref<200x128xf32, #tpu.memory_space<hbm>>
    %dma_wait3A_26 = arith.constant 0 : i32
    %dma_wait3A_27 = tpu.memref_slice %arg4[%mul3A_2, %dma_wait3A_26] : memref<819200x128xf32, #tpu.memory_space<hbm>> -> memref<200x128xf32, #tpu.memory_space<hbm>>
    tpu.wait_dma2 semaphore(%arg15 : memref<!tpu.dma_semaphore, #tpu.memory_space<semaphore_mem>>) src(%arg7 : memref<200x128xf32, #tpu.memory_space<vmem>>) dst(%dma_wait3A_27 : memref<200x128xf32, #tpu.memory_space<hbm>>)
    %dma_wait3A_28 = arith.constant 0 : i32
    %dma_wait3A_29 = tpu.memref_slice %arg4[%mul3A_2, %dma_wait3A_28] : memref<819200x128xf32, #tpu.memory_space<hbm>> -> memref<200x128xf32, #tpu.memory_space<hbm>>
    %dma_wait3A_30 = arith.constant 0 : i32
    %dma_wait3A_31 = tpu.memref_slice %arg4[%mul3A_2, %dma_wait3A_30] : memref<819200x128xf32, #tpu.memory_space<hbm>> -> memref<200x128xf32, #tpu.memory_space<hbm>>
    tpu.wait_dma2 semaphore(%arg16 : memref<!tpu.dma_semaphore, #tpu.memory_space<semaphore_mem>>) src(%arg8 : memref<200x128xf32, #tpu.memory_space<vmem>>) dst(%dma_wait3A_31 : memref<200x128xf32, #tpu.memory_space<hbm>>)
    %dma_wait3A_32 = arith.constant 0 : i32
    %dma_wait3A_33 = tpu.memref_slice %arg4[%mul3A_2, %dma_wait3A_32] : memref<819200x128xf32, #tpu.memory_space<hbm>> -> memref<200x128xf32, #tpu.memory_space<hbm>>
    %dma_wait3A_34 = arith.constant 0 : i32
    %dma_wait3A_35 = tpu.memref_slice %arg4[%mul3A_2, %dma_wait3A_34] : memref<819200x128xf32, #tpu.memory_space<hbm>> -> memref<200x128xf32, #tpu.memory_space<hbm>>
    tpu.wait_dma2 semaphore(%arg17 : memref<!tpu.dma_semaphore, #tpu.memory_space<semaphore_mem>>) src(%arg9 : memref<200x128xf32, #tpu.memory_space<vmem>>) dst(%dma_wait3A_35 : memref<200x128xf32, #tpu.memory_space<hbm>>)
    return
  }
}

</mosaic_0001>

<sc_bundles>
// kernel: _embedding_lookup.3.cloned.1.call-start
scs
__scs_entry_jumppad:
0x0: {  	(pc) =	sbr.rel $0x88, $3  }
0x1: {  	(tag) =	ssettag $0x0;
	lr =	simm.s32 $0x1  }
0x2: {  	[smem:$0x3F9F] =	sst lr;
	_ =	strace $0xD0000000  }
0x3: {  	_ = 	snop  }
0x4: {  	_ = 	snop  }
0x5: {  	_ = 	snop  }
0x6: {  	_ = 	snop  }
0x7: {  	_ = 	snop  }
__scs_overlays_trampoline_lowered:
0x8: {  	[smem:$0x3FAE] =	sst s0  }
0x9: {  	[smem:$0x3FAF] =	sst s1  }
0xa: {  	[smem:$0x3FB0] =	sst s2  }
0xb: {  	[smem:$0x3FB1] =	sst s3  }
0xc: {  	[smem:$0x3FB2] =	sst s4  }
0xd: {  	[smem:$0x3FB3] =	sst s5  }
0xe: {  	[smem:$0x3FB4] =	sst s6  }
0xf: {  	[smem:$0x3FB5] =	sst s7  }
0x10: {  	[smem:$0x3FB6] =	sst s8  }
0x11: {  	[smem:$0x3FB7] =	sst s9;
	s0 =	simm.s32 @!p0 $0x0  }
0x12: {  	s1 =	sld [smem:$0x3F9D];
	s0 =	simm.s32 @p0 $0x1  }
0x13: {  	[smem:$0x3FB8] =	sst s0;
	s0 =	simm.s32 @!p1 $0x0  }
0x14: {  	s2 =	sld [smem:$0x3F9C];
	s0 =	simm.s32 @p1 $0x1  }
0x15: {  	[smem:$0x3FB9] =	sst s0;
	s0 =	simm.s32 @!p2 $0x0  }
0x16: {  	s3 =	sld [smem:$0x3FDB];
	s0 =	simm.s32 @p2 $0x1  }
0x17: {  	s4 =	simm.s32 $0x1BF5;
	[smem:$0x3FBB] =	sst s0  }
0x18: {  	s0 =	sld [smem:$0x3F9E];
	_ =	swait.ge [sflag:s4], $0x0  }
0x19: {  	s7 =	sld [smem:$0x3F9F]  }
0x1a: {  	s8 =	sadd.s32 $0xFFFFE003, lr  }
0x1b: {  	s9 =	sadd.s32 $0xFFFFFEF7, lr;
	s5 =	simm.s32 $0xFFFFFFFF;
	p2 =	slt.u32 s8, $0xFFFFF086  }
0x1c: {  	p1 =	slt.u32 s9, $0xF7A;
	s5 =	simm.s32 @!p2 $0x0  }
0x1d: {  	s5 =	simm.s32 @p1 $0x1;
	p0 =	seq.s32 s7, s2  }
0x1e: {  	s7 =	smul.u32 @!p0 $0xF7A, s2;
	p2 =	seq.s32 @!p0 s5, $0x0  }
0x1f: {  	s9 =	smul.u32 $0xF7A, s1;
	s8 =	simm.s32 @!p0 $0x1BF5;
	p2 =	por !p2, p0  }
0x20: {  	[sflag:s8] =	ssyncset.s32 @!p0 $0xFFFFF086;
	s6 =	sadd.s32 @!p0 s3, s7;
	s7 =	simm.s32 @!p0 $0x108  }
0x21: {  	s3 =	sadd.s32 s3, s9;
	s6 =	sadd.s32 @!p0 $0x88, s6;
	s7 =	simm.s32 @p2 $0x1082  }
0x22: {  	[simem:s7], [sflag:s8] =	dma.local @!p0 [hbm:s6], $0xF7A  }
0x23: {  	s9 =	sor.u32 $0xD0000000, s2;
	s6 =	simm.s32 $0x108;
	_ =	swait.ge @!p0 [sflag:s8], $0x0  }
0x24: {  	s3 =	sadd.s32 $0x88, s3;
	s6 =	simm.s32 @!p1 $0x1082;
	[sflag:s4] =	ssyncset.s32 $0xFFFFF086  }
0x25: {  	[simem:s6], [sflag:s4] =	dma.local [hbm:s3], $0xF7A  }
0x26: {  	[smem:$0x3F9F] =	sst s1;
	(tag) =	ssettag s2;
	_ =	strace s9  }
0x27: {  	s1 =	sld [smem:$0x3FAF]  }
0x28: {  	s2 =	sld [smem:$0x3FB0]  }
0x29: {  	s4 =	sld [smem:$0x3FB2]  }
0x2a: {  	p0 =	seq.s32 s5, $0x0;
	s5 =	sld [smem:$0x3FB3]  }
0x2b: {  	s6 =	sld [smem:$0x3FB4]  }
0x2c: {  	s7 =	sld [smem:$0x3FB5]  }
0x2d: {  	s3 =	simm.s32 $0x108;
	s8 =	sld [smem:$0x3FB6]  }
0x2e: {  	s3 =	simm.s32 @!p0 $0x1082;
	s9 =	sld [smem:$0x3FB7]  }
0x2f: {  	lr =	sadd.s32 s0, s3;
	s0 =	sld [smem:$0x3FAE]  }
0x30: {  	s3 =	sld [smem:$0x3FB1]  }
0x31: {  	[smem:$0x3FBA] =	sst s10  }
0x32: {  	s10 =	sld [smem:$0x3FB8];
	_ =	sdelay $0x3  }
0x33: {  	p0 =	seq.s32 s10, $0x1;
	s10 =	sld [smem:$0x3FBA];
	_ =	sdelay $0x3  }
0x34: {  	[smem:$0x3FBA] =	sst s10  }
0x35: {  	s10 =	sld [smem:$0x3FB9];
	_ =	sdelay $0x3  }
0x36: {  	p1 =	seq.s32 s10, $0x1;
	s10 =	sld [smem:$0x3FBA];
	_ =	sdelay $0x3  }
0x37: {  	[smem:$0x3FBA] =	sst s10  }
0x38: {  	s10 =	sld [smem:$0x3FBB]  }
0x39: {  	_ = 	snop;
	(pc) =	sbr.ind lr, $3  }
0x3a: {  	_ = 	snop  }
0x3b: {  	_ = 	snop  }
0x3c: {  	p2 =	seq.s32 s10, $0x1;
	s10 =	sld [smem:$0x3FBA]  }
0x3d: {  	_ =	shalt  }
0x3e: {  	_ =	shalt  }
0x3f: {  	_ =	shalt  }
0x40: {  	_ =	shalt  }
0x41: {  	_ =	shalt  }
0x42: {  	_ =	shalt  }
0x43: {  	_ =	shalt  }
0x44: {  	_ =	shalt  }
0x45: {  	_ =	shalt  }
0x46: {  	_ =	shalt  }
0x47: {  	_ =	shalt  }
0x48: {  	_ =	shalt  }
0x49: {  	_ =	shalt  }
0x4a: {  	_ =	shalt  }
0x4b: {  	_ =	shalt  }
0x4c: {  	_ =	shalt  }
0x4d: {  	_ =	shalt  }
0x4e: {  	_ =	shalt  }
0x4f: {  	_ =	shalt  }
0x50: {  	_ =	shalt  }
0x51: {  	_ =	shalt  }
0x52: {  	_ =	shalt  }
0x53: {  	_ =	shalt  }
0x54: {  	_ =	shalt  }
0x55: {  	_ =	shalt  }
0x56: {  	_ =	shalt  }
0x57: {  	_ =	shalt  }
0x58: {  	_ =	shalt  }
0x59: {  	_ =	shalt  }
0x5a: {  	_ =	shalt  }
0x5b: {  	_ =	shalt  }
0x5c: {  	_ =	shalt  }
0x5d: {  	_ =	shalt  }
0x5e: {  	_ =	shalt  }
0x5f: {  	_ =	shalt  }
0x60: {  	_ =	shalt  }
0x61: {  	_ =	shalt  }
0x62: {  	_ =	shalt  }
0x63: {  	_ =	shalt  }
0x64: {  	_ =	shalt  }
0x65: {  	_ =	shalt  }
0x66: {  	_ =	shalt  }
0x67: {  	_ =	shalt  }
0x68: {  	_ =	shalt  }
0x69: {  	_ =	shalt  }
0x6a: {  	_ =	shalt  }
0x6b: {  	_ =	shalt  }
0x6c: {  	_ =	shalt  }
0x6d: {  	_ =	shalt  }
0x6e: {  	_ =	shalt  }
0x6f: {  	_ =	shalt  }
0x70: {  	_ =	shalt  }
0x71: {  	_ =	shalt  }
0x72: {  	_ =	shalt  }
0x73: {  	_ =	shalt  }
0x74: {  	_ =	shalt  }
0x75: {  	_ =	shalt  }
0x76: {  	_ =	shalt  }
0x77: {  	_ =	shalt  }
0x78: {  	_ =	shalt  }
0x79: {  	_ =	shalt  }
0x7a: {  	_ =	shalt  }
0x7b: {  	_ =	shalt  }
0x7c: {  	_ =	shalt  }
0x7d: {  	_ =	shalt  }
0x7e: {  	_ =	shalt  }
0x7f: {  	_ =	shalt  }
0x80: {  	_ =	shalt  }
0x81: {  	_ =	shalt  }
0x82: {  	_ =	shalt  }
0x83: {  	_ =	shalt  }
0x84: {  	_ =	shalt  }
0x85: {  	_ =	shalt  }
0x86: {  	_ =	shalt  }
0x87: {  	_ =	shalt  }
.Lfunc_end0:
.L_simem_size_0:
called_computation_lowered:
.L_overlay_start_0:
0x88: {  	s2 =	sld [smem:$0x3FD9]  }
0x89: {  	s3 =	sld [smem:$0x3FFE];
	_ =	sdelay $0x1  }
0x8a: {  	s1 =	srdreg.scid  }
0x8b: {  	s0 =	sand.u32 $0x1, s1  }
0x8c: {  	s18 =	sshll.u32 s0, $0xA;
	s2 =	sadd.s32 s3, s2  }
0x8d: {  	s2 =	sadd.s32 s2, s18  }
0x8e: {  	[smem:$0x3FC6] =	sst s2  }
0x8f: {  	_ = 	snop  }
0x90: {  	s2 =	sld [smem:$0x3FC9]  }
0x91: {  	s19 =	sld [smem:$0x3FC8]  }
0x92: {  	s4 =	sld [smem:$0x3FD0];
	(tm) =	ssettm $0x1  }
0x93: {  	s5 =	sld [smem:$0x3FFB];
	_ =	sdelay $0x3  }
0x94: {  	_ =	strace s5  }
0x95: {  	s5 =	sld [smem:$0x3FFC];
	_ =	sdelay $0x3  }
0x96: {  	_ =	strace s5  }
0x97: {  	s5 =	sld [smem:$0x3FFD];
	_ =	sdelay $0x3  }
0x98: {  	_ =	strace s5  }
0x99: {  	_ =	strace $0x8FFFFFFF  }
0x9a: {  	s20 =	sld [smem:$0x3FDB];
	_ =	sdelay $0x1  }
0x9b: {  	s6 =	simm.s32 $_scs_section_size  }
0x9c: {  	s7 =	simm.s32 $_size__tile_overlayer_lowered;
	s8 =	simm.s32 $_tile_overlayer_lowered  }
0x9d: {  	s23 =	simm.s32 $0x1BFF;
	s22 =	sshll.u32 s8, $0x1;
	s5 =	sadd.s32 s6, s20  }
0x9e: {  	s9 =	simm.s32 $0x0;
	s21 =	sshll.u32 s7, $0x1;
	s7 =	sadd.s32 s22, s5  }
0x9f: {  	[timem:s9], [sflag:s23] =	dma.local [hbm:s7], s21  }
0xa0: {  	_ =	swait.ge [sflag:s23], s21  }
0xa1: {  	s6 =	ssub.s32 $0x0, s21;
	[sflag:s23] =	ssyncset.done $0x0  }
0xa2: {  	[sflag:s23] =	ssyncadd.s32 s6;
	_ =	sdelay $0x1  }
0xa3: {  	s24 =	simm.s32 $0x1B8B  }
0xa4: {  	_ =	swait.ge [sflag:s24], $0x1  }
0xa5: {  	[sflag:s24] =	ssyncset.done $0x0  }
0xa6: {  	s25 =	simm.s32 $0x1B8E;
	[sflag:s24] =	ssyncadd.s32 $0xFFFFFFFF  }
0xa7: {  	s26 =	simm.s32 $execute0_lowered;
	[smem:$0x3FD2] =	sst s25  }
0xa8: {  	s6 =	sshll.u32 s26, $0x1;
	_ =	strace $0x80000046;
	[dreg:$0x1] =	wrdreg $0xFFFFFFFF  }
0xa9: {  	s28 =	simm.s32 $_size_execute0_lowered;
	s5 =	sadd.s32 s5, s6;
	[dreg:$0x0] =	wrdreg $0x0  }
0xaa: {  	s6 =	sshll.u32 s28, $0x1;
	[dreg:$0x2] =	wrdreg s5  }
0xab: {  	[dreg:$0x3] =	wrdreg s6  }
0xac: {  	[dreg:$0x4] =	wrdreg $0xC0  }
0xad: {  	_ =	task [dreg:s9], $0x5FFFF  }
0xae: {  	[dreg:$0x1] =	wrdreg $0xFFFFFFFF  }
0xaf: {  	[dreg:$0x0] =	wrdreg $0x60  }
0xb0: {  	[dreg:$0x2] =	wrdreg s2  }
0xb1: {  	[dreg:$0x3] =	wrdreg s19  }
0xb2: {  	[dreg:$0x4] =	wrdreg s4  }
0xb3: {  	[dreg:$0x5] =	wrdreg $0x9  }
0xb4: {  	_ =	task.clear_ibuf [dreg:s9], $0x6FFFF;
	_ =	strace $0x90000046  }
0xb5: {  	s29 =	simm.s32 $0x9;
	_ =	strace $0x80000048  }
0xb6: {  	_ =	swait.ge [sflag:s29], $0x1  }
0xb7: {  	[sflag:s29] =	ssyncadd.s32 $0xFFFFFFFF  }
0xb8: {  	_ =	strace $0x90000048  }
0xb9: {  	_ =	sfence  }
0xba: {  	s30 =	sld [smem:$0x0];
	_ =	sdelay $0x2  }
0xbb: {  	s31 =	sshll.u32 s1, $0xD;
	s1 =	sshrl.u32 s1, $0x2  }
0xbc: {  	s3 =	sand.u32 $0x4000, s31;
	s1 =	sadd.s32 s1, s30  }
0xbd: {  	s0 =	sor.u32 s3, s0;
	s1 =	sshll.u32 s1, $0x11  }
0xbe: {  	s0 =	sor.u32 s1, s0  }
0xbf: {  	s0 =	sadd.s32 $0x8F2B, s0  }
0xc0: {  	[sflag:s0] =	ssyncadd.remote.s32 $0x1  }
0xc1: {  	_ =	sfence.sel $0xFFFF  }
0xc2: {  	[dreg:$0x0] =	wrdreg $0xFFFFFFFF;
	(pc) =	sbr.abs _section_cstart, $3  }
0xc3: {  	[dreg:$0x1] =	wrdreg $0xFFFFFFFF  }
0xc4: {  	_ =	task.clear_ibuf [dreg:s9], $0x2FFFF;
	_ =	strace $0x9FFFFFFF  }
0xc5: {  	(tm) =	ssettm $0x7FFFFFFF  }
tec
execute0_lowered:
.L_overlay_start_1:
0x0: {  	(tag) =	ssettag $0x1  }
0x1: {  	s4 =	rddreg [dreg:$0x0]  }
0x2: {  	s1 =	srdreg.scid;
	s2 =	rddreg [dreg:$0x1]  }
0x3: {  	s0 =	stileid.u32;
	s6 =	rddreg [dreg:$0x2]  }
0x4: {  	s3 =	simm.s32 $0x0;
	s12 =	simm.s32 $0x12C00;
	s13 =	simm.s32 $0x19000  }
0x5: {  	s14 =	simm.s32 $0x1;
	s15 =	simm.s32 $0x3;
	s16 =	simm.s32 $0x4  }
0x6: {  	s17 =	simm.s32 $0x5;
	s18 =	simm.s32 $0x6;
	s19 =	simm.s32 $0x7  }
0x7: {  	s20 =	simm.s32 $0x8;
	s5 =	sand.u32 $0x1, s1;
	s30 =	sshll.u32 s0, $0x1  }
0x8: {  	s21 =	simm.s32 $0x0;
	s11 =	smul.u32 $0xC8000, s0;
	s7 =	sor.u32 s5, s30  }
0x9: {  	[smem:$0x7FF] =	sst s3;
	s9 =	ssub.s32 $0x2, s5;
	s8 =	smul.u32 $0x6400, s7  }
0xa: {  	_ =	strace $0x80000047;
	s7 =	smul.u32 $0x64000, s7;
	s10 =	sshrl.u32 s9, $0x1  }
0xb: {  	s5 =	smul.u32 $0x64000, s5;
	s9 =	ssub.s32 s9, s10;
	s8 =	sshrl.u32 s8, $0x3  }
0xc: {  	s7 =	sadd.s32 s6, s7;
	s6 =	sadd.s32 s11, s6;
	s31 =	sadd.s32 s4, s8  }
0xd: {  	s7 =	sadd.s32 $0x61A80, s7;
	s6 =	sadd.s32 s5, s6;
	s5 =	smax.u32 s9, $0x1  }
0xe: {  	s8 =	simm.s32 $0xC8;
	s9 =	simm.s32 $0x6400;
	[dreg:$0x5] =	wrdreg s31  }
0xf: {  	[dreg:$0x4] =	wrdreg s7;
	s6 =	sadd.s32 $0x1900, s6;
	s7 =	simm.s32 $0x9  }
.LBB2_1:
0x10: {  	s0 =	rddreg [dreg:$0x5]  }
0x11: {  	[tilespmem:s3], [sflag:$0x9] =	stream.linear.gather [hbm4b:s0+s3], $0x6400, $0x38;
	[tilespmem:$0x1F400] =	vst v63  }
0x12: {  	_ =	swait.ge [sflag:s7], $0x6400  }
0x13: {  	[sflag:s7] =	ssyncset.done $0x0  }
0x14: {  	[sflag:s7] =	ssyncadd.s32 $0xFFFF9C00  }
0x15: {  	[tilespmem:s9], [sflag:$0x1] =	stream.indirect.gather [hbm4b:s2+s8], $0x80, s3, s8, $0xb8;
	[tilespmem:$0x1F400] =	vst v63  }
0x16: {  	s29 =	simm.s32 $0xC800;
	p0 =	por $0x1, $0x1  }
0x17: {  	[tilespmem:s29], [sflag:$0x2] =	stream.indirect.gather [hbm4b:s2+s8], $0x80, s8, s8, $0xb8;
	[tilespmem:$0x1F400] =	vst v63  }
0x18: {  	s30 =	simm.s32 $0x190;
	s22 =	simm.s32 @!p0 $0x8  }
0x19: {  	[tilespmem:s12], [sflag:$0x3] =	stream.indirect.gather [hbm4b:s2+s8], $0x80, s30, s8, $0xb8;
	[tilespmem:$0x1F400] =	vst v63  }
0x1a: {  	_ =	swait.ge @!p0 [sflag:s22], $0x6400  }
0x1b: {  	[sflag:s22] =	ssyncset.done @!p0 $0x0  }
0x1c: {  	s23 =	simm.s32 $0x258;
	[sflag:s22] =	ssyncadd.s32 @!p0 $0xFFFF9C00  }
0x1d: {  	[tilespmem:s13], [sflag:$0x4] =	stream.indirect.gather [hbm4b:s2+s8], $0x80, s23, s8, $0xb8;
	[tilespmem:$0x1F400] =	vst v63  }
0x1e: {  	_ =	swait.ge [sflag:s14], $0x6400  }
0x1f: {  	p0 =	por $0x0, $0x0;
	[sflag:s14] =	ssyncset.done $0x0  }
0x20: {  	s31 =	sadd.s32 $0xFFFFE700, s6;
	s23 =	simm.s32 @p0 $0x2;
	[sflag:s14] =	ssyncadd.s32 $0xFFFF9C00  }
0x21: {  	[hbm4b:s31+s3] =	stream.linear.scatter [tilespmem:s9], [sflag:$0x5], $0x6400, $0x38;
	[tilespmem:$0x1F400] =	vst v63  }
0x22: {  	_ =	swait.ge @p0 [sflag:s23], $0x6400  }
0x23: {  	s24 =	simm.s32 @p0 $0xC800;
	s25 =	simm.s32 @!p0 $0x5;
	[sflag:s23] =	ssyncset.done @p0 $0x0  }
0x24: {  	s22 =	rddreg [dreg:$0x4];
	[sflag:s23] =	ssyncadd.s32 @p0 $0xFFFF9C00;
	s23 =	simm.s32 @p0 $0x0  }
0x25: {  	[hbm4b:s22+s23] =	stream.linear.scatter @p0 [tilespmem:s24], [sflag:$0x6], $0x6400, $0x38;
	[tilespmem:$0x1F400] =	vst v63  }
0x26: {  	_ =	swait.ge @!p0 [sflag:s25], $0x6400  }
0x27: {  	s26 =	simm.s32 @!p0 $0xC8;
	s22 =	simm.s32 @!p0 $0x320;
	[sflag:s25] =	ssyncset.done @!p0 $0x0  }
0x28: {  	s23 =	simm.s32 @!p0 $0x6400;
	s24 =	simm.s32 @!p0 $0x2;
	[sflag:s25] =	ssyncadd.s32 @!p0 $0xFFFF9C00  }
0x29: {  	[tilespmem:s23], [sflag:$0x1] =	stream.indirect.gather @!p0 [hbm4b:s2+s26], $0x80, s22, s26, $0xb8;
	[tilespmem:$0x1F400] =	vst v63  }
0x2a: {  	_ =	swait.ge @!p0 [sflag:s24], $0x6400  }
0x2b: {  	s25 =	simm.s32 @!p0 $0x0;
	s22 =	simm.s32 @!p0 $0xC800;
	[sflag:s24] =	ssyncset.done @!p0 $0x0  }
0x2c: {  	s23 =	sadd.s32 @!p0 $0xFFFFF380, s6;
	[sflag:s24] =	ssyncadd.s32 @!p0 $0xFFFF9C00;
	s24 =	simm.s32 @!p0 $0x6  }
0x2d: {  	[hbm4b:s23+s25] =	stream.linear.scatter @!p0 [tilespmem:s22], [sflag:$0x6], $0x6400, $0x38;
	[tilespmem:$0x1F400] =	vst v63  }
0x2e: {  	_ =	swait.ge @!p0 [sflag:s24], $0x6400  }
0x2f: {  	[sflag:s24] =	ssyncset.done @!p0 $0x0  }
0x30: {  	s23 =	simm.s32 @!p0 $0x3E8;
	[sflag:s24] =	ssyncadd.s32 @!p0 $0xFFFF9C00  }
0x31: {  	[tilespmem:s22], [sflag:$0x2] =	stream.indirect.gather @!p0 [hbm4b:s2+s26], $0x80, s23, s26, $0xb8;
	[tilespmem:$0x1F400] =	vst v63  }
0x32: {  	_ =	swait.ge [sflag:s15], $0x6400  }
0x33: {  	[sflag:s15] =	ssyncset.done $0x0  }
0x34: {  	s22 =	simm.s32 @!p0 $0x7;
	[sflag:s15] =	ssyncadd.s32 $0xFFFF9C00  }
0x35: {  	[hbm4b:s6+s3] =	stream.linear.scatter [tilespmem:s12], [sflag:$0x7], $0x6400, $0x38;
	[tilespmem:$0x1F400] =	vst v63  }
0x36: {  	_ =	swait.ge @!p0 [sflag:s22], $0x6400  }
0x37: {  	p1 =	por $0x0, $0x0;
	s28 =	simm.s32 @!p0 $0x12C00;
	[sflag:s22] =	ssyncset.done @!p0 $0x0  }
0x38: {  	s25 =	simm.s32 @!p0 $0x4B0;
	s23 =	sadd.s32 $0x3200, s6;
	[sflag:s22] =	ssyncadd.s32 @!p0 $0xFFFF9C00  }
0x39: {  	[tilespmem:s28], [sflag:$0x3] =	stream.indirect.gather @!p0 [hbm4b:s2+s26], $0x80, s25, s26, $0xb8;
	[tilespmem:$0x1F400] =	vst v63  }
0x3a: {  	s24 =	simm.s32 $0xC80;
	s22 =	sadd.s32 $0xC80, s23;
	s25 =	sadd.s32 $0xC80, s6  }
0x3b: {  	s26 =	simm.s32 $0x1900;
	s28 =	sadd.s32 $0x3200, s23;
	_ =	swait.ge [sflag:s16], $0x6400  }
.LBB2_2:
0x3c: {  	[sflag:s16] =	ssyncset.done $0x0  }
0x3d: {  	s29 =	simm.s32 @!p1 $0x8;
	[sflag:s16] =	ssyncadd.s32 $0xFFFF9C00  }
0x3e: {  	[hbm4b:s25+s3] =	stream.linear.scatter [tilespmem:s13], [sflag:$0x8], $0x6400, $0x38;
	[tilespmem:$0x1F400] =	vst v63  }
0x3f: {  	_ =	swait.ge @!p1 [sflag:s29], $0x6400  }
0x40: {  	s1 =	sshra.s32 s24, $0x2;
	[sflag:s29] =	ssyncset.done @!p1 $0x0  }
0x41: {  	s1 =	sadd.s32 $0x258, s1;
	[sflag:s29] =	ssyncadd.s32 @!p1 $0xFFFF9C00  }
0x42: {  	[tilespmem:s13], [sflag:$0x4] =	stream.indirect.gather [hbm4b:s2+s8], $0x80, s1, s8, $0xb8;
	[tilespmem:$0x1F400] =	vst v63  }
0x43: {  	s31 =	sadd.s32 $0xC80, s28;
	s25 =	smov.u32 s22;
	_ =	swait.ge [sflag:s14], $0x6400  }
0x44: {  	s22 =	smov.u32 s31;
	p1 =	seq.s32 s24, $0x18380;
	[sflag:s14] =	ssyncset.done $0x0  }
0x45: {  	s31 =	sadd.s32 $0xFFFFE700, s23;
	s29 =	simm.s32 @p1 $0x2;
	[sflag:s14] =	ssyncadd.s32 $0xFFFF9C00  }
0x46: {  	[hbm4b:s31+s3] =	stream.linear.scatter [tilespmem:s9], [sflag:$0x5], $0x6400, $0x38;
	[tilespmem:$0x1F400] =	vst v63  }
0x47: {  	_ =	swait.ge @p1 [sflag:s29], $0x6400  }
0x48: {  	s11 =	simm.s32 @p1 $0xC800;
	s4 =	simm.s32 @!p1 $0x5;
	[sflag:s29] =	ssyncset.done @p1 $0x0  }
0x49: {  	s0 =	rddreg [dreg:$0x4];
	[sflag:s29] =	ssyncadd.s32 @p1 $0xFFFF9C00;
	s29 =	simm.s32 @p1 $0x0  }
0x4a: {  	[hbm4b:s0+s29] =	stream.linear.scatter @p1 [tilespmem:s11], [sflag:$0x6], $0x6400, $0x38;
	[tilespmem:$0x1F400] =	vst v63  }
0x4b: {  	s24 =	sshra.s32 @!p1 s24, $0x2;
	_ =	swait.ge @!p1 [sflag:s4], $0x6400  }
0x4c: {  	s1 =	sadd.s32 @!p1 $0x320, s24;
	s0 =	simm.s32 @!p1 $0xC8;
	[sflag:s4] =	ssyncset.done @!p1 $0x0  }
0x4d: {  	s11 =	simm.s32 @!p1 $0x6400;
	[sflag:s4] =	ssyncadd.s32 @!p1 $0xFFFF9C00;
	s4 =	simm.s32 @!p1 $0x2  }
0x4e: {  	[tilespmem:s11], [sflag:$0x1] =	stream.indirect.gather @!p1 [hbm4b:s2+s0], $0x80, s1, s0, $0xb8;
	[tilespmem:$0x1F400] =	vst v63  }
0x4f: {  	_ =	swait.ge @!p1 [sflag:s4], $0x6400  }
0x50: {  	s29 =	simm.s32 @!p1 $0x0;
	s1 =	simm.s32 @!p1 $0xC800;
	[sflag:s4] =	ssyncset.done @!p1 $0x0  }
0x51: {  	s11 =	sadd.s32 @!p1 $0xFFFFF380, s23;
	[sflag:s4] =	ssyncadd.s32 @!p1 $0xFFFF9C00;
	s4 =	simm.s32 @!p1 $0x6  }
0x52: {  	[hbm4b:s11+s29] =	stream.linear.scatter @!p1 [tilespmem:s1], [sflag:$0x6], $0x6400, $0x38;
	[tilespmem:$0x1F400] =	vst v63  }
0x53: {  	_ =	swait.ge @!p1 [sflag:s4], $0x6400  }
0x54: {  	[sflag:s4] =	ssyncset.done @!p1 $0x0  }
0x55: {  	s31 =	sadd.s32 @!p1 $0x3E8, s24;
	[sflag:s4] =	ssyncadd.s32 @!p1 $0xFFFF9C00  }
0x56: {  	[tilespmem:s1], [sflag:$0x2] =	stream.indirect.gather @!p1 [hbm4b:s2+s0], $0x80, s31, s0, $0xb8;
	[tilespmem:$0x1F400] =	vst v63  }
0x57: {  	_ =	swait.ge [sflag:s15], $0x6400  }
0x58: {  	s30 =	smov.u32 s26;
	s26 =	sadd.s32 $0xC80, s26;
	[sflag:s15] =	ssyncset.done $0x0  }
0x59: {  	p0 =	sne.s32 s26, $0x19000;
	s1 =	simm.s32 @!p1 $0x7;
	[sflag:s15] =	ssyncadd.s32 $0xFFFF9C00  }
0x5a: {  	[hbm4b:s23+s3] =	stream.linear.scatter [tilespmem:s12], [sflag:$0x7], $0x6400, $0x38;
	[tilespmem:$0x1F400] =	vst v63  }
.Ltmp0:
0x5b: {  	_ =	swait.ge @!p1 [sflag:s1], $0x6400;
	(pc) =	sbr.rel @p0 .LBB2_2-.Ltmp0, $4  }
0x5c: {  	s10 =	sadd.s32 @!p1 $0x4B0, s24;
	s24 =	smov.u32 s30;
	[sflag:s1] =	ssyncset.done @!p1 $0x0  }
0x5d: {  	s4 =	simm.s32 @!p1 $0x12C00;
	s23 =	smov.u32 s28;
	[sflag:s1] =	ssyncadd.s32 @!p1 $0xFFFF9C00  }
0x5e: {  	[tilespmem:s4], [sflag:$0x3] =	stream.indirect.gather @!p1 [hbm4b:s2+s0], $0x80, s10, s0, $0xb8;
	[tilespmem:$0x1F400] =	vst v63  }
0x5f: {  	s28 =	sadd.s32 $0x3200, s28;
	p1 =	seq.s32 s24, $0x0;
	_ =	swait.ge [sflag:s16], $0x6400  }
0x60: {  	[sflag:s16] =	ssyncset.done $0x0  }
0x61: {  	s0 =	simm.s32 @!p1 $0x8;
	[sflag:s16] =	ssyncadd.s32 $0xFFFF9C00  }
0x62: {  	[hbm4b:s25+s3] =	stream.linear.scatter [tilespmem:s13], [sflag:$0x8], $0x6400, $0x38;
	[tilespmem:$0x1F400] =	vst v63  }
0x63: {  	_ =	swait.ge @!p1 [sflag:s0], $0x6400  }
0x64: {  	s1 =	sshra.s32 s24, $0x2;
	[sflag:s0] =	ssyncset.done @!p1 $0x0  }
0x65: {  	s1 =	sadd.s32 $0x258, s1;
	[sflag:s0] =	ssyncadd.s32 @!p1 $0xFFFF9C00  }
0x66: {  	[tilespmem:s13], [sflag:$0x4] =	stream.indirect.gather [hbm4b:s2+s8], $0x80, s1, s8, $0xb8;
	[tilespmem:$0x1F400] =	vst v63  }
0x67: {  	_ =	swait.ge [sflag:s14], $0x6400  }
0x68: {  	p0 =	seq.s32 s24, $0x18380;
	[sflag:s14] =	ssyncset.done $0x0  }
0x69: {  	s31 =	sadd.s32 $0xFFFFE700, s23;
	s1 =	simm.s32 @p0 $0x2;
	[sflag:s14] =	ssyncadd.s32 $0xFFFF9C00  }
0x6a: {  	[hbm4b:s31+s3] =	stream.linear.scatter [tilespmem:s9], [sflag:$0x5], $0x6400, $0x38;
	[tilespmem:$0x1F400] =	vst v63  }
0x6b: {  	_ =	swait.ge @p0 [sflag:s1], $0x6400  }
0x6c: {  	s4 =	simm.s32 @p0 $0xC800;
	s10 =	simm.s32 @!p0 $0x5;
	[sflag:s1] =	ssyncset.done @p0 $0x0  }
0x6d: {  	s0 =	rddreg [dreg:$0x4];
	[sflag:s1] =	ssyncadd.s32 @p0 $0xFFFF9C00;
	s1 =	simm.s32 @p0 $0x0  }
0x6e: {  	[hbm4b:s0+s1] =	stream.linear.scatter @p0 [tilespmem:s4], [sflag:$0x6], $0x6400, $0x38;
	[tilespmem:$0x1F400] =	vst v63  }
0x6f: {  	s11 =	simm.s32 @!p0 $0x6400;
	_ =	swait.ge @!p0 [sflag:s10], $0x6400  }
0x70: {  	s0 =	sshra.s32 @!p0 s24, $0x2;
	s4 =	simm.s32 @!p0 $0xC8;
	[sflag:s10] =	ssyncset.done @!p0 $0x0  }
0x71: {  	s1 =	sadd.s32 @!p0 $0x320, s0;
	[sflag:s10] =	ssyncadd.s32 @!p0 $0xFFFF9C00;
	s10 =	simm.s32 @!p0 $0x2  }
0x72: {  	[tilespmem:s11], [sflag:$0x1] =	stream.indirect.gather @!p0 [hbm4b:s2+s4], $0x80, s1, s4, $0xb8;
	[tilespmem:$0x1F400] =	vst v63  }
0x73: {  	_ =	swait.ge @!p0 [sflag:s10], $0x6400  }
0x74: {  	s24 =	simm.s32 @!p0 $0x0;
	s1 =	simm.s32 @!p0 $0xC800;
	[sflag:s10] =	ssyncset.done @!p0 $0x0  }
0x75: {  	s11 =	sadd.s32 @!p0 $0xFFFFF380, s23;
	[sflag:s10] =	ssyncadd.s32 @!p0 $0xFFFF9C00;
	s10 =	simm.s32 @!p0 $0x6  }
0x76: {  	[hbm4b:s11+s24] =	stream.linear.scatter @!p0 [tilespmem:s1], [sflag:$0x6], $0x6400, $0x38;
	[tilespmem:$0x1F400] =	vst v63  }
0x77: {  	_ =	swait.ge @!p0 [sflag:s10], $0x6400  }
0x78: {  	[sflag:s10] =	ssyncset.done @!p0 $0x0  }
0x79: {  	s11 =	sadd.s32 @!p0 $0x3E8, s0;
	[sflag:s10] =	ssyncadd.s32 @!p0 $0xFFFF9C00  }
0x7a: {  	[tilespmem:s1], [sflag:$0x2] =	stream.indirect.gather @!p0 [hbm4b:s2+s4], $0x80, s11, s4, $0xb8;
	[tilespmem:$0x1F400] =	vst v63  }
0x7b: {  	_ =	swait.ge [sflag:s15], $0x6400  }
0x7c: {  	[sflag:s15] =	ssyncset.done $0x0  }
0x7d: {  	s1 =	simm.s32 @!p0 $0x7;
	[sflag:s15] =	ssyncadd.s32 $0xFFFF9C00  }
0x7e: {  	[hbm4b:s23+s3] =	stream.linear.scatter [tilespmem:s12], [sflag:$0x7], $0x6400, $0x38;
	[tilespmem:$0x1F400] =	vst v63  }
0x7f: {  	_ =	swait.ge @!p0 [sflag:s1], $0x6400  }
0x80: {  	[sflag:s1] =	ssyncset.done @!p0 $0x0  }
0x81: {  	s0 =	sadd.s32 @!p0 $0x4B0, s0;
	s10 =	simm.s32 @!p0 $0x12C00;
	[sflag:s1] =	ssyncadd.s32 @!p0 $0xFFFF9C00  }
0x82: {  	[tilespmem:s10], [sflag:$0x3] =	stream.indirect.gather @!p0 [hbm4b:s2+s4], $0x80, s0, s4, $0xb8;
	[tilespmem:$0x1F400] =	vst v63  }
0x83: {  	_ =	swait.ge [sflag:s16], $0x6400  }
0x84: {  	[sflag:s16] =	ssyncset.done $0x0  }
0x85: {  	[sflag:s16] =	ssyncadd.s32 $0xFFFF9C00  }
0x86: {  	[hbm4b:s22+s3] =	stream.linear.scatter [tilespmem:s13], [sflag:$0x8], $0x6400, $0x38;
	[tilespmem:$0x1F400] =	vst v63  }
0x87: {  	_ =	swait.ge [sflag:s17], $0x6400  }
0x88: {  	[sflag:s17] =	ssyncset.done $0x0  }
0x89: {  	[sflag:s17] =	ssyncadd.s32 $0xFFFF9C00  }
0x8a: {  	_ =	swait.ge [sflag:s18], $0x6400  }
0x8b: {  	[sflag:s18] =	ssyncset.done $0x0  }
0x8c: {  	s21 =	sadd.s32 $0x1, s21;
	[sflag:s18] =	ssyncadd.s32 $0xFFFF9C00  }
0x8d: {  	p0 =	sne.s32 s21, s5;
	_ =	swait.ge [sflag:s19], $0x6400  }
.Ltmp1:
0x8e: {  	[sflag:s19] =	ssyncset.done $0x0;
	(pc) =	sbr.rel @p0 .LBB2_1-.Ltmp1, $4  }
0x8f: {  	[sflag:s19] =	ssyncadd.s32 $0xFFFF9C00  }
0x90: {  	_ =	swait.ge [sflag:s20], $0x6400  }
0x91: {  	[sflag:s20] =	ssyncset.done $0x0  }
0x92: {  	[sflag:s20] =	ssyncadd.s32 $0xFFFF9C00  }
0x93: {  	_ =	sfence.sel $0x180000  }
0x94: {  	[bflag:$0x0] =	sbarrier.arrive $0xFFFF  }
0x95: {  	_ =	strace $0x90000047  }
0x96: {  	s0 =	stileid.u32;
	[bflag:$0x2] =	sbarrier.arrive $0xFFFF  }
0x97: {  	p0 =	sne.s32 s0, $0x0;
	s0 =	rddreg [dreg:$0x3]  }
0x98: {  	s0 =	sadd.s32 @!p0 $0x100000, s0  }
0x99: {  	[sflag:s0] =	ssyncadd.tile.s32 @!p0 $0x1;
	_ =	shalt  }
.Lfunc_end2:
_tile_overlayer_lowered:
.L_overlay_start_2:
0x9a: {  	(tag) =	ssettag $0x2  }
0x9b: {  	s0 =	rddreg [dreg:$0x0];
	s2 =	stileid.u32  }
0x9c: {  	s1 =	rddreg [dreg:$0x1];
	p0 =	sne.s32 s2, $0x0  }
0x9d: {  	s3 =	rddreg [dreg:$0x2];
	[bflag:$0x3] =	sbarrier.arrive $0xFFFF;
	s2 =	simm.s32 @!p0 $0x1C09  }
0x9e: {  	[timem:s3], [sflag:s2] =	dma.local @!p0 [hbm:s0], s1  }
0x9f: {  	s0 =	simm.s32 @!p0 $0x9  }
0xa0: {  	_ =	swait.ge @!p0 [sflag:s0], s1  }
0xa1: {  	s1 =	ssub.s32 @!p0 $0x0, s1;
	[sflag:s0] =	ssyncset.done @!p0 $0x0  }
0xa2: {  	[sflag:s0] =	ssyncadd.s32 @!p0 s1  }
0xa3: {  	[bflag:$0x3] =	sbarrier.arrive $0xFFFF  }
0xa4: {  	_ =	shalt  }

</sc_bundles>
